<compile_context>
chip_gen: v7x
topology: tpu7x:2x2x1
jax: 0.10.2.dev20260603
libtpu: 0.0.44.dev20260713+nightly
codegen_flags: <defaults>
</compile_context>

<pallas_src>
import functools

import jax
import jax.numpy as jnp
from jax import lax
from jax.experimental import pallas as pl
from jax.experimental.pallas import tpu as pltpu
from jax.experimental.pallas import tpu_sc as plsc

_SEQ = 4096
_BATCH = 16
_NB = 4
_NCORES = 1
_WIDTH = _SEQ // _NCORES
_LANES = 16


def _span_ends(u, sml, lrg, su):
    sc = jnp.where(u < jnp.float32(0.5), sml, lrg)
    ln = jnp.maximum((sc * jnp.float32(_SEQ)).astype(jnp.int32), 1)
    mx = jnp.maximum(_SEQ - ln, 0)
    st = (su * (mx.astype(jnp.float32) + jnp.float32(1.0))).astype(jnp.int32)
    en = jnp.minimum(st + ln, _SEQ)
    return st, en


def _sc_body(use_hbm, small_hbm, large_hbm, start_hbm, pos_out,
             params_v, pbuf, sem):
    c = lax.axis_index("c")
    s = lax.axis_index("s")
    row = s
    col0 = c * _WIDTH

    srcs = (use_hbm, small_hbm, large_hbm, start_hbm)
    copies = [pltpu.async_copy(src, params_v.at[q], sem)
              for q, src in enumerate(srcs)]
    for cp in copies:
        cp.wait()

    lanes = lax.iota(jnp.int32, _LANES)
    gidx = row * _NB + (lanes & (_NB - 1))

    def grab(q):
        return plsc.load_gather(params_v, [jnp.broadcast_to(q, (16,)), gidx])

    st, en = _span_ends(grab(0), grab(1), grab(2), grab(3))

    key = jnp.where(lanes < _NB, st, jnp.int32(2 ** 31 - 1))
    ks, vs = plsc.sort_key_val(key, en)
    ss = [ks[i] for i in range(_NB)]
    ee = [vs[i] for i in range(_NB)]

    a0, b0 = ss[0], ee[0]
    a1 = jnp.maximum(ss[1], b0); b1 = jnp.maximum(ee[1], b0)
    a2 = jnp.maximum(ss[2], b1); b2 = jnp.maximum(ee[2], b1)
    a3 = jnp.maximum(ss[3], b2); b3 = jnp.maximum(ee[3], b2)
    c1 = b0 - a0
    c2 = c1 + (b1 - a1)
    c3 = c2 + (b2 - a2)
    c4 = c3 + (b3 - a3)
    g1 = a1 - b0
    g2 = a2 - b1
    g3 = a3 - b2

    _UNROLL = 2

    def chunk(q, carry):
        base = q * (_LANES * _UNROLL)
        for r in range(_UNROLL):
            j = col0 + base + r * _LANES + lanes
            v = j + a0
            v = v + jnp.where(j >= c1, g1, 0)
            v = v + jnp.where(j >= c2, g2, 0)
            v = v + jnp.where(j >= c3, g3, 0)
            v = jnp.where(j >= c4, _SEQ, v)
            pbuf[pl.ds(base + r * _LANES, _LANES)] = v
        return carry

    lax.fori_loop(0, _WIDTH // (_LANES * _UNROLL), chunk, 0)

    pltpu.sync_copy(pbuf, pos_out.at[row, pl.ds(col0, _WIDTH)])


_sc_positions = pl.kernel(
    _sc_body,
    out_type=jax.ShapeDtypeStruct((_BATCH, _SEQ), jnp.int32),
    mesh=plsc.VectorSubcoreMesh(core_axis_name="c", subcore_axis_name="s",
                                num_cores=_NCORES),
    scratch_types=[
        pltpu.VMEM((_NB, _BATCH * _NB), jnp.float32),
        pltpu.VMEM((_WIDTH,), jnp.int32),
        pltpu.SemaphoreType.DMA,
    ],
    compiler_params=pltpu.CompilerParams(needs_layout_passes=False,
                                        skip_device_barrier=True),
    name="span_positions_sc",
)


def _tc_body(params_ref, cmask_ref, tmask_ref):
    st, en = _span_ends(params_ref[0], params_ref[1], params_ref[2],
                        params_ref[3])
    st16 = st.astype(jnp.int16)
    en16 = en.astype(jnp.int16)
    pos = lax.broadcasted_iota(jnp.int16, (_BATCH, _SEQ), 1)
    m = None
    for k in range(_NB):
        term = (pos >= st16[:, k:k + 1]) & (pos < en16[:, k:k + 1])
        m = term if m is None else m | term
    tmask_ref[...] = m.astype(jnp.int8)
    cmask_ref[...] = jnp.logical_not(m).astype(jnp.int8)


_tc_masks = pl.pallas_call(
    _tc_body,
    out_shape=[
        jax.ShapeDtypeStruct((_BATCH, _SEQ), jnp.int8),
        jax.ShapeDtypeStruct((_BATCH, _SEQ), jnp.int8),
    ],
    name="span_masks_tc",
)


def kernel(use_small_u, small_scales, large_scales, start_u):
    args = (use_small_u, small_scales, large_scales, start_u)
    positions = _sc_positions(*args)
    params = jnp.stack([a.reshape(_BATCH, _NB) for a in args])
    cmask, tmask = _tc_masks(params)
    return (cmask.astype(jnp.bool_), tmask.astype(jnp.bool_), positions)

# --- scband reference (transcript-rebuilt; emitter-appended) ---
"""Pipeline reference for scband-span-mask-generator-13795434955369 (READ-ONLY COPY).

The authoritative reference and input builder live on the scoring server;
editing this copy changes nothing except your own understanding.
"""

import jax, jax.numpy as jnp
import numpy as np

BATCH = 16
SEQ = 4096
NUM_BLOCKS = 4
P_SMALL = 0.5
SMALL_MIN, SMALL_MAX = 0.05, 0.15
LARGE_MIN, LARGE_MAX = 0.15, 0.25


def setup_inputs(seed: int = 0) -> dict:
    key = jax.random.key(seed)
    k1, k2, k3, k4 = jax.random.split(key, 4)
    total = BATCH * NUM_BLOCKS
    return {
        "use_small_u": jax.random.uniform(k1, (total,), dtype=jnp.float32),
        "small_scales": jax.random.uniform(k2, (total,), dtype=jnp.float32, minval=SMALL_MIN, maxval=SMALL_MAX),
        "large_scales": jax.random.uniform(k3, (total,), dtype=jnp.float32, minval=LARGE_MIN, maxval=LARGE_MAX),
        "start_u": jax.random.uniform(k4, (total,), dtype=jnp.float32),
    }


def reference(use_small_u, small_scales, large_scales, start_u):
    # hierarchical scale selection
    use_small = use_small_u < P_SMALL
    scales = jnp.where(use_small, small_scales, large_scales)
    # span lengths and starts (same math as torch module)
    span_lens = jnp.clip((scales * SEQ).astype(jnp.int32), 1)
    max_starts = jnp.clip(SEQ - span_lens, 0)
    starts = (start_u * (max_starts.astype(jnp.float32) + 1.0)).astype(jnp.int32)
    ends = jnp.minimum(starts + span_lens, SEQ)
    # vectorized span painting: pos in [start, end) per span, OR-reduce over spans of each batch item
    pos = jnp.arange(SEQ, dtype=jnp.int32)
    span_mask = (pos[None, :] >= starts[:, None]) & (pos[None, :] < ends[:, None])  # [B*NB, SEQ]
    target_mask = span_mask.reshape(BATCH, NUM_BLOCKS, SEQ).any(axis=1)  # [B, SEQ]
    context_mask = jnp.logical_not(target_mask)
    # target_positions: nonzero indices per row, padded with SEQ (jit-compatible dense form of List[Tensor])
    idx = jnp.where(target_mask, pos[None, :], SEQ)
    target_positions = jnp.sort(idx, axis=1)  # valid positions first, pad value SEQ at the end
    return (context_mask, target_mask, target_positions)

if __name__ == "__main__":
    import jax
    _d = setup_inputs()
    print(jax.jit(kernel)(*tuple(_d.values())))

</pallas_src>

<mosaic_0001>
#map = affine_map<(d0, d1) -> (0)>
#map1 = affine_map<(d0, d1) -> (0, 0)>
module attributes {stable_mosaic.version = 14 : i64} {
  func.func @span_positions_sc(%arg0: i32, %arg1: i32, %arg2: memref<64xf32, #tpu.memory_space<hbm>>, %arg3: memref<64xf32, #tpu.memory_space<hbm>>, %arg4: memref<64xf32, #tpu.memory_space<hbm>>, %arg5: memref<64xf32, #tpu.memory_space<hbm>>, %arg6: memref<16x4096xi32, #tpu.memory_space<hbm>>, %arg7: memref<4x64xf32, #tpu.memory_space<vmem>>, %arg8: memref<4096xi32, #tpu.memory_space<vmem>>, %arg9: memref<!tpu.dma_semaphore, #tpu.memory_space<semaphore_mem>>) attributes {dimension_semantics = [#tpu.dimension_semantics<core_parallel>, #tpu.dimension_semantics<subcore_parallel>], iteration_bounds = array<i64: 1, 16>, scalar_prefetch = 0 : i64, scratch_operands = 3 : i64, tpu.core_type = #tpu.core_type<sc_vector_subcore>, window_params = [{transform_indices = #map}, {transform_indices = #map}, {transform_indices = #map}, {transform_indices = #map}, {transform_indices = #map1}]} {
    %mul3A = arith.constant 4096 : i32
    %mul3A_0 = arith.muli %arg0, %mul3A : i32
    %dma_start3A = arith.constant 0 : i32
    %dma_start3A_1 = arith.constant 0 : i32
    %dma_start3A_2 = tpu.memref_slice %arg7[%dma_start3A, %dma_start3A_1] : memref<4x64xf32, #tpu.memory_space<vmem>> -> memref<1x64xf32, #tpu.memory_space<vmem>>
    %dma_start3A_3 = tpu.memref_squeeze %dma_start3A_2 : memref<1x64xf32, #tpu.memory_space<vmem>> -> memref<64xf32, #tpu.memory_space<vmem>>
    %dma_start3A_4 = arith.constant 0 : i32
    %dma_start3A_5 = tpu.memref_slice %arg7[%dma_start3A, %dma_start3A_4] : memref<4x64xf32, #tpu.memory_space<vmem>> -> memref<1x64xf32, #tpu.memory_space<vmem>>
    %dma_start3A_6 = tpu.memref_squeeze %dma_start3A_5 : memref<1x64xf32, #tpu.memory_space<vmem>> -> memref<64xf32, #tpu.memory_space<vmem>>
    tpu.enqueue_dma source(%arg2 : memref<64xf32, #tpu.memory_space<hbm>>) target(%dma_start3A_6 : memref<64xf32, #tpu.memory_space<vmem>>) target_semaphore(%arg9 : memref<!tpu.dma_semaphore, #tpu.memory_space<semaphore_mem>>)
    %dma_start3A_7 = arith.constant 1 : i32
    %dma_start3A_8 = arith.constant 0 : i32
    %dma_start3A_9 = tpu.memref_slice %arg7[%dma_start3A_7, %dma_start3A_8] : memref<4x64xf32, #tpu.memory_space<vmem>> -> memref<1x64xf32, #tpu.memory_space<vmem>>
    %dma_start3A_10 = tpu.memref_squeeze %dma_start3A_9 : memref<1x64xf32, #tpu.memory_space<vmem>> -> memref<64xf32, #tpu.memory_space<vmem>>
    %dma_start3A_11 = arith.constant 0 : i32
    %dma_start3A_12 = tpu.memref_slice %arg7[%dma_start3A_7, %dma_start3A_11] : memref<4x64xf32, #tpu.memory_space<vmem>> -> memref<1x64xf32, #tpu.memory_space<vmem>>
    %dma_start3A_13 = tpu.memref_squeeze %dma_start3A_12 : memref<1x64xf32, #tpu.memory_space<vmem>> -> memref<64xf32, #tpu.memory_space<vmem>>
    tpu.enqueue_dma source(%arg3 : memref<64xf32, #tpu.memory_space<hbm>>) target(%dma_start3A_13 : memref<64xf32, #tpu.memory_space<vmem>>) target_semaphore(%arg9 : memref<!tpu.dma_semaphore, #tpu.memory_space<semaphore_mem>>)
    %dma_start3A_14 = arith.constant 2 : i32
    %dma_start3A_15 = arith.constant 0 : i32
    %dma_start3A_16 = tpu.memref_slice %arg7[%dma_start3A_14, %dma_start3A_15] : memref<4x64xf32, #tpu.memory_space<vmem>> -> memref<1x64xf32, #tpu.memory_space<vmem>>
    %dma_start3A_17 = tpu.memref_squeeze %dma_start3A_16 : memref<1x64xf32, #tpu.memory_space<vmem>> -> memref<64xf32, #tpu.memory_space<vmem>>
    %dma_start3A_18 = arith.constant 0 : i32
    %dma_start3A_19 = tpu.memref_slice %arg7[%dma_start3A_14, %dma_start3A_18] : memref<4x64xf32, #tpu.memory_space<vmem>> -> memref<1x64xf32, #tpu.memory_space<vmem>>
    %dma_start3A_20 = tpu.memref_squeeze %dma_start3A_19 : memref<1x64xf32, #tpu.memory_space<vmem>> -> memref<64xf32, #tpu.memory_space<vmem>>
    tpu.enqueue_dma source(%arg4 : memref<64xf32, #tpu.memory_space<hbm>>) target(%dma_start3A_20 : memref<64xf32, #tpu.memory_space<vmem>>) target_semaphore(%arg9 : memref<!tpu.dma_semaphore, #tpu.memory_space<semaphore_mem>>)
    %dma_start3A_21 = arith.constant 3 : i32
    %dma_start3A_22 = arith.constant 0 : i32
    %dma_start3A_23 = tpu.memref_slice %arg7[%dma_start3A_21, %dma_start3A_22] : memref<4x64xf32, #tpu.memory_space<vmem>> -> memref<1x64xf32, #tpu.memory_space<vmem>>
    %dma_start3A_24 = tpu.memref_squeeze %dma_start3A_23 : memref<1x64xf32, #tpu.memory_space<vmem>> -> memref<64xf32, #tpu.memory_space<vmem>>
    %dma_start3A_25 = arith.constant 0 : i32
    %dma_start3A_26 = tpu.memref_slice %arg7[%dma_start3A_21, %dma_start3A_25] : memref<4x64xf32, #tpu.memory_space<vmem>> -> memref<1x64xf32, #tpu.memory_space<vmem>>
    %dma_start3A_27 = tpu.memref_squeeze %dma_start3A_26 : memref<1x64xf32, #tpu.memory_space<vmem>> -> memref<64xf32, #tpu.memory_space<vmem>>
    tpu.enqueue_dma source(%arg5 : memref<64xf32, #tpu.memory_space<hbm>>) target(%dma_start3A_27 : memref<64xf32, #tpu.memory_space<vmem>>) target_semaphore(%arg9 : memref<!tpu.dma_semaphore, #tpu.memory_space<semaphore_mem>>)
    %dma_wait3A = arith.constant 0 : i32
    %dma_wait3A_28 = arith.constant 0 : i32
    %dma_wait3A_29 = tpu.memref_slice %arg7[%dma_wait3A, %dma_wait3A_28] : memref<4x64xf32, #tpu.memory_space<vmem>> -> memref<1x64xf32, #tpu.memory_space<vmem>>
    %dma_wait3A_30 = tpu.memref_squeeze %dma_wait3A_29 : memref<1x64xf32, #tpu.memory_space<vmem>> -> memref<64xf32, #tpu.memory_space<vmem>>
    %dma_wait3A_31 = arith.constant 0 : i32
    %dma_wait3A_32 = tpu.memref_slice %arg7[%dma_wait3A, %dma_wait3A_31] : memref<4x64xf32, #tpu.memory_space<vmem>> -> memref<1x64xf32, #tpu.memory_space<vmem>>
    %dma_wait3A_33 = tpu.memref_squeeze %dma_wait3A_32 : memref<1x64xf32, #tpu.memory_space<vmem>> -> memref<64xf32, #tpu.memory_space<vmem>>
    tpu.wait_dma2 semaphore(%arg9 : memref<!tpu.dma_semaphore, #tpu.memory_space<semaphore_mem>>) src(%arg2 : memref<64xf32, #tpu.memory_space<hbm>>) dst(%dma_wait3A_33 : memref<64xf32, #tpu.memory_space<vmem>>)
    %dma_wait3A_34 = arith.constant 1 : i32
    %dma_wait3A_35 = arith.constant 0 : i32
    %dma_wait3A_36 = tpu.memref_slice %arg7[%dma_wait3A_34, %dma_wait3A_35] : memref<4x64xf32, #tpu.memory_space<vmem>> -> memref<1x64xf32, #tpu.memory_space<vmem>>
    %dma_wait3A_37 = tpu.memref_squeeze %dma_wait3A_36 : memref<1x64xf32, #tpu.memory_space<vmem>> -> memref<64xf32, #tpu.memory_space<vmem>>
    %dma_wait3A_38 = arith.constant 0 : i32
    %dma_wait3A_39 = tpu.memref_slice %arg7[%dma_wait3A_34, %dma_wait3A_38] : memref<4x64xf32, #tpu.memory_space<vmem>> -> memref<1x64xf32, #tpu.memory_space<vmem>>
    %dma_wait3A_40 = tpu.memref_squeeze %dma_wait3A_39 : memref<1x64xf32, #tpu.memory_space<vmem>> -> memref<64xf32, #tpu.memory_space<vmem>>
    tpu.wait_dma2 semaphore(%arg9 : memref<!tpu.dma_semaphore, #tpu.memory_space<semaphore_mem>>) src(%arg3 : memref<64xf32, #tpu.memory_space<hbm>>) dst(%dma_wait3A_40 : memref<64xf32, #tpu.memory_space<vmem>>)
    %dma_wait3A_41 = arith.constant 2 : i32
    %dma_wait3A_42 = arith.constant 0 : i32
    %dma_wait3A_43 = tpu.memref_slice %arg7[%dma_wait3A_41, %dma_wait3A_42] : memref<4x64xf32, #tpu.memory_space<vmem>> -> memref<1x64xf32, #tpu.memory_space<vmem>>
    %dma_wait3A_44 = tpu.memref_squeeze %dma_wait3A_43 : memref<1x64xf32, #tpu.memory_space<vmem>> -> memref<64xf32, #tpu.memory_space<vmem>>
    %dma_wait3A_45 = arith.constant 0 : i32
    %dma_wait3A_46 = tpu.memref_slice %arg7[%dma_wait3A_41, %dma_wait3A_45] : memref<4x64xf32, #tpu.memory_space<vmem>> -> memref<1x64xf32, #tpu.memory_space<vmem>>
    %dma_wait3A_47 = tpu.memref_squeeze %dma_wait3A_46 : memref<1x64xf32, #tpu.memory_space<vmem>> -> memref<64xf32, #tpu.memory_space<vmem>>
    tpu.wait_dma2 semaphore(%arg9 : memref<!tpu.dma_semaphore, #tpu.memory_space<semaphore_mem>>) src(%arg4 : memref<64xf32, #tpu.memory_space<hbm>>) dst(%dma_wait3A_47 : memref<64xf32, #tpu.memory_space<vmem>>)
    %dma_wait3A_48 = arith.constant 3 : i32
    %dma_wait3A_49 = arith.constant 0 : i32
    %dma_wait3A_50 = tpu.memref_slice %arg7[%dma_wait3A_48, %dma_wait3A_49] : memref<4x64xf32, #tpu.memory_space<vmem>> -> memref<1x64xf32, #tpu.memory_space<vmem>>
    %dma_wait3A_51 = tpu.memref_squeeze %dma_wait3A_50 : memref<1x64xf32, #tpu.memory_space<vmem>> -> memref<64xf32, #tpu.memory_space<vmem>>
    %dma_wait3A_52 = arith.constant 0 : i32
    %dma_wait3A_53 = tpu.memref_slice %arg7[%dma_wait3A_48, %dma_wait3A_52] : memref<4x64xf32, #tpu.memory_space<vmem>> -> memref<1x64xf32, #tpu.memory_space<vmem>>
    %dma_wait3A_54 = tpu.memref_squeeze %dma_wait3A_53 : memref<1x64xf32, #tpu.memory_space<vmem>> -> memref<64xf32, #tpu.memory_space<vmem>>
    tpu.wait_dma2 semaphore(%arg9 : memref<!tpu.dma_semaphore, #tpu.memory_space<semaphore_mem>>) src(%arg5 : memref<64xf32, #tpu.memory_space<hbm>>) dst(%dma_wait3A_54 : memref<64xf32, #tpu.memory_space<vmem>>)
    %iota3A = tpu.iota {dimensions = array<i32: 0>} : vector<16xi32>
    %mul3A_55 = arith.constant 4 : i32
    %mul3A_56 = arith.muli %arg1, %mul3A_55 : i32
    %and3A = arith.constant 3 : i32
    %and3A_57 = vector.broadcast %and3A : i32 to vector<16xi32>
    %and3A_58 = arith.andi %iota3A, %and3A_57 : vector<16xi32>
    %add3A = vector.broadcast %mul3A_56 : i32 to vector<16xi32>
    %add3A_59 = arith.addi %add3A, %and3A_58 : vector<16xi32>
    %broadcast_in_dim3A = arith.constant 0 : i32
    %broadcast_in_dim3A_60 = vector.broadcast %broadcast_in_dim3A : i32 to vector<16xi32>
    %gather3A = tpu.vector_load_idx %arg7[%broadcast_in_dim3A_60, %add3A_59] : memref<4x64xf32, #tpu.memory_space<vmem>>[vector<16xi32>, vector<16xi32>], vector<16xf32>,
    %broadcast_in_dim3A_61 = arith.constant 1 : i32
    %broadcast_in_dim3A_62 = vector.broadcast %broadcast_in_dim3A_61 : i32 to vector<16xi32>
    %gather3A_63 = tpu.vector_load_idx %arg7[%broadcast_in_dim3A_62, %add3A_59] : memref<4x64xf32, #tpu.memory_space<vmem>>[vector<16xi32>, vector<16xi32>], vector<16xf32>,
    %broadcast_in_dim3A_64 = arith.constant 2 : i32
    %broadcast_in_dim3A_65 = vector.broadcast %broadcast_in_dim3A_64 : i32 to vector<16xi32>
    %gather3A_66 = tpu.vector_load_idx %arg7[%broadcast_in_dim3A_65, %add3A_59] : memref<4x64xf32, #tpu.memory_space<vmem>>[vector<16xi32>, vector<16xi32>], vector<16xf32>,
    %broadcast_in_dim3A_67 = arith.constant 3 : i32
    %broadcast_in_dim3A_68 = vector.broadcast %broadcast_in_dim3A_67 : i32 to vector<16xi32>
    %gather3A_69 = tpu.vector_load_idx %arg7[%broadcast_in_dim3A_68, %add3A_59] : memref<4x64xf32, #tpu.memory_space<vmem>>[vector<16xi32>, vector<16xi32>], vector<16xf32>,
    %lt3A = arith.constant 5.000000e-01 : f32
    %lt3A_70 = vector.broadcast %lt3A : f32 to vector<16xf32>
    %lt3A_71 = arith.cmpf olt, %gather3A, %lt3A_70 : vector<16xf32>
    %select_n3A = arith.select %lt3A_71, %gather3A_63, %gather3A_66 : vector<16xi1>, vector<16xf32>
    %mul3A_72 = arith.constant 4.096000e+03 : f32
    %mul3A_73 = vector.broadcast %mul3A_72 : f32 to vector<16xf32>
    %mul3A_74 = arith.mulf %select_n3A, %mul3A_73 : vector<16xf32>
    %convert_element_type3A = arith.fptosi %mul3A_74 : vector<16xf32> to vector<16xi32>
    %max3A = arith.constant 1 : i32
    %max3A_75 = vector.broadcast %max3A : i32 to vector<16xi32>
    %max3A_76 = arith.maxsi %convert_element_type3A, %max3A_75 : vector<16xi32>
    %sub3A = arith.constant 4096 : i32
    %sub3A_77 = vector.broadcast %sub3A : i32 to vector<16xi32>
    %sub3A_78 = arith.subi %sub3A_77, %max3A_76 : vector<16xi32>
    %max3A_79 = arith.constant 0 : i32
    %max3A_80 = vector.broadcast %max3A_79 : i32 to vector<16xi32>
    %max3A_81 = arith.maxsi %sub3A_78, %max3A_80 : vector<16xi32>
    %convert_element_type3A_82 = arith.sitofp %max3A_81 : vector<16xi32> to vector<16xf32>
    %add3A_83 = arith.constant 1.000000e+00 : f32
    %add3A_84 = vector.broadcast %add3A_83 : f32 to vector<16xf32>
    %add3A_85 = arith.addf %convert_element_type3A_82, %add3A_84 : vector<16xf32>
    %mul3A_86 = arith.mulf %gather3A_69, %add3A_85 : vector<16xf32>
    %convert_element_type3A_87 = arith.fptosi %mul3A_86 : vector<16xf32> to vector<16xi32>
    %add3A_88 = arith.addi %convert_element_type3A_87, %max3A_76 : vector<16xi32>
    %min3A = arith.constant 4096 : i32
    %min3A_89 = vector.broadcast %min3A : i32 to vector<16xi32>
    %min3A_90 = arith.minsi %add3A_88, %min3A_89 : vector<16xi32>
    %lt3A_91 = arith.constant 4 : i32
    %lt3A_92 = vector.broadcast %lt3A_91 : i32 to vector<16xi32>
    %lt3A_93 = arith.cmpi slt, %iota3A, %lt3A_92 : vector<16xi32>
    %jit3A = arith.constant 2147483647 : i32
    %broadcast_in_dim3A_94 = vector.broadcast %jit3A : i32 to vector<16xi32>
    %select_n3A_95 = arith.select %lt3A_93, %convert_element_type3A_87, %broadcast_in_dim3A_94 : vector<16xi1>, vector<16xi32>
    %masked_sort3A = arith.constant dense<true> : vector<16xi1>
    %masked_sort3A_96 = arith.constant -2147483648 : i32
    %masked_sort3A_97 = vector.broadcast %masked_sort3A_96 : i32 to vector<16xi32>
    %masked_sort3A_98 = arith.xori %select_n3A_95, %masked_sort3A_97 : vector<16xi32>
    %masked_sort3A_99, %masked_sort3A_100, %masked_sort3A_101 = tpu.sort %masked_sort3A_98, %min3A_90 masked %masked_sort3A : (vector<16xi32>, vector<16xi32>, vector<16xi1>) -> (vector<16xi1>, vector<16xi32>, vector<16xi32>)
    %masked_sort3A_102 = arith.xori %masked_sort3A_100, %masked_sort3A_97 : vector<16xi32>
    %slice3A = vector.extract_strided_slice %masked_sort3A_102 {offsets = [0], sizes = [1], strides = [1]} : vector<16xi32> to vector<1xi32>
    %squeeze3A = vector.extract %slice3A[0] : i32 from vector<1xi32>
    %slice3A_103 = vector.extract_strided_slice %masked_sort3A_102 {offsets = [1], sizes = [1], strides = [1]} : vector<16xi32> to vector<1xi32>
    %squeeze3A_104 = vector.extract %slice3A_103[0] : i32 from vector<1xi32>
    %slice3A_105 = vector.extract_strided_slice %masked_sort3A_102 {offsets = [2], sizes = [1], strides = [1]} : vector<16xi32> to vector<1xi32>
    %squeeze3A_106 = vector.extract %slice3A_105[0] : i32 from vector<1xi32>
    %slice3A_107 = vector.extract_strided_slice %masked_sort3A_102 {offsets = [3], sizes = [1], strides = [1]} : vector<16xi32> to vector<1xi32>
    %squeeze3A_108 = vector.extract %slice3A_107[0] : i32 from vector<1xi32>
    %slice3A_109 = vector.extract_strided_slice %masked_sort3A_101 {offsets = [0], sizes = [1], strides = [1]} : vector<16xi32> to vector<1xi32>
    %squeeze3A_110 = vector.extract %slice3A_109[0] : i32 from vector<1xi32>
    %slice3A_111 = vector.extract_strided_slice %masked_sort3A_101 {offsets = [1], sizes = [1], strides = [1]} : vector<16xi32> to vector<1xi32>
    %squeeze3A_112 = vector.extract %slice3A_111[0] : i32 from vector<1xi32>
    %slice3A_113 = vector.extract_strided_slice %masked_sort3A_101 {offsets = [2], sizes = [1], strides = [1]} : vector<16xi32> to vector<1xi32>
    %squeeze3A_114 = vector.extract %slice3A_113[0] : i32 from vector<1xi32>
    %slice3A_115 = vector.extract_strided_slice %masked_sort3A_101 {offsets = [3], sizes = [1], strides = [1]} : vector<16xi32> to vector<1xi32>
    %squeeze3A_116 = vector.extract %slice3A_115[0] : i32 from vector<1xi32>
    %max3A_117 = arith.maxsi %squeeze3A_104, %squeeze3A_110 : i32
    %max3A_118 = arith.maxsi %squeeze3A_112, %squeeze3A_110 : i32
    %max3A_119 = arith.maxsi %squeeze3A_106, %max3A_118 : i32
    %max3A_120 = arith.maxsi %squeeze3A_114, %max3A_118 : i32
    %max3A_121 = arith.maxsi %squeeze3A_108, %max3A_120 : i32
    %max3A_122 = arith.maxsi %squeeze3A_116, %max3A_120 : i32
    %sub3A_123 = arith.subi %squeeze3A_110, %squeeze3A : i32
    %sub3A_124 = arith.subi %max3A_118, %max3A_117 : i32
    %add3A_125 = arith.addi %sub3A_123, %sub3A_124 : i32
    %sub3A_126 = arith.subi %max3A_120, %max3A_119 : i32
    %add3A_127 = arith.addi %add3A_125, %sub3A_126 : i32
    %sub3A_128 = arith.subi %max3A_122, %max3A_121 : i32
    %add3A_129 = arith.addi %add3A_127, %sub3A_128 : i32
    %sub3A_130 = arith.subi %max3A_117, %squeeze3A_110 : i32
    %sub3A_131 = arith.subi %max3A_119, %max3A_118 : i32
    %sub3A_132 = arith.subi %max3A_121, %max3A_120 : i32
    %scan3A = arith.constant 0 : i32
    %scan3A_133 = arith.constant 0 : i32
    %scan3A_134 = arith.constant 128 : i32
    %scan3A_135 = arith.addi %scan3A_133, %scan3A_134 : i32
    %scan3A_136 = arith.constant 1 : i32
    scf.for %scan3A_138 = %scan3A_133 to %scan3A_135 step %scan3A_136  : i32 {
      %mul3A_139 = arith.constant 32 : i32
      %mul3A_140 = arith.muli %scan3A_138, %mul3A_139 : i32
      %add3A_141 = arith.addi %mul3A_0, %mul3A_140 : i32
      %add3A_142 = arith.constant 0 : i32
      %add3A_143 = arith.addi %add3A_141, %add3A_142 : i32
      %add3A_144 = vector.broadcast %add3A_143 : i32 to vector<16xi32>
      %add3A_145 = arith.addi %add3A_144, %iota3A : vector<16xi32>
      %add3A_146 = vector.broadcast %squeeze3A : i32 to vector<16xi32>
      %add3A_147 = arith.addi %add3A_145, %add3A_146 : vector<16xi32>
      %ge3A = vector.broadcast %sub3A_123 : i32 to vector<16xi32>
      %ge3A_148 = arith.cmpi sge, %add3A_145, %ge3A : vector<16xi32>
      %jit3A_149 = arith.constant 0 : i32
      %broadcast_in_dim3A_150 = vector.broadcast %sub3A_130 : i32 to vector<16xi32>
      %broadcast_in_dim3A_151 = vector.broadcast %jit3A_149 : i32 to vector<16xi32>
      %select_n3A_152 = arith.select %ge3A_148, %broadcast_in_dim3A_150, %broadcast_in_dim3A_151 : vector<16xi1>, vector<16xi32>
      %add3A_153 = arith.addi %add3A_147, %select_n3A_152 : vector<16xi32>
      %ge3A_154 = vector.broadcast %add3A_125 : i32 to vector<16xi32>
      %ge3A_155 = arith.cmpi sge, %add3A_145, %ge3A_154 : vector<16xi32>
      %jit3A_156 = arith.constant 0 : i32
      %broadcast_in_dim3A_157 = vector.broadcast %sub3A_131 : i32 to vector<16xi32>
      %broadcast_in_dim3A_158 = vector.broadcast %jit3A_156 : i32 to vector<16xi32>
      %select_n3A_159 = arith.select %ge3A_155, %broadcast_in_dim3A_157, %broadcast_in_dim3A_158 : vector<16xi1>, vector<16xi32>
      %add3A_160 = arith.addi %add3A_153, %select_n3A_159 : vector<16xi32>
      %ge3A_161 = vector.broadcast %add3A_127 : i32 to vector<16xi32>
      %ge3A_162 = arith.cmpi sge, %add3A_145, %ge3A_161 : vector<16xi32>
      %jit3A_163 = arith.constant 0 : i32
      %broadcast_in_dim3A_164 = vector.broadcast %sub3A_132 : i32 to vector<16xi32>
      %broadcast_in_dim3A_165 = vector.broadcast %jit3A_163 : i32 to vector<16xi32>
      %select_n3A_166 = arith.select %ge3A_162, %broadcast_in_dim3A_164, %broadcast_in_dim3A_165 : vector<16xi1>, vector<16xi32>
      %add3A_167 = arith.addi %add3A_160, %select_n3A_166 : vector<16xi32>
      %ge3A_168 = vector.broadcast %add3A_129 : i32 to vector<16xi32>
      %ge3A_169 = arith.cmpi sge, %add3A_145, %ge3A_168 : vector<16xi32>
      %jit3A_170 = arith.constant 4096 : i32
      %broadcast_in_dim3A_171 = vector.broadcast %jit3A_170 : i32 to vector<16xi32>
      %select_n3A_172 = arith.select %ge3A_169, %broadcast_in_dim3A_171, %add3A_167 : vector<16xi1>, vector<16xi32>
      %add3A_173 = arith.constant 0 : i32
      %add3A_174 = arith.addi %mul3A_140, %add3A_173 : i32
      %swap3A = arith.index_cast %add3A_174 : i32 to index
      %swap3A_175 = tpu.vector_load %arg8[%swap3A] {strides = array<i32>} : memref<4096xi32, #tpu.memory_space<vmem>>, vector<16xi32>,
      tpu.vector_store %arg8[%swap3A], %select_n3A_172 {strides = array<i32>} : memref<4096xi32, #tpu.memory_space<vmem>>, vector<16xi32>,
      %add3A_176 = arith.addi %mul3A_0, %mul3A_140 : i32
      %add3A_177 = arith.constant 16 : i32
      %add3A_178 = arith.addi %add3A_176, %add3A_177 : i32
      %add3A_179 = vector.broadcast %add3A_178 : i32 to vector<16xi32>
      %add3A_180 = arith.addi %add3A_179, %iota3A : vector<16xi32>
      %add3A_181 = vector.broadcast %squeeze3A : i32 to vector<16xi32>
      %add3A_182 = arith.addi %add3A_180, %add3A_181 : vector<16xi32>
      %ge3A_183 = vector.broadcast %sub3A_123 : i32 to vector<16xi32>
      %ge3A_184 = arith.cmpi sge, %add3A_180, %ge3A_183 : vector<16xi32>
      %jit3A_185 = arith.constant 0 : i32
      %broadcast_in_dim3A_186 = vector.broadcast %sub3A_130 : i32 to vector<16xi32>
      %broadcast_in_dim3A_187 = vector.broadcast %jit3A_185 : i32 to vector<16xi32>
      %select_n3A_188 = arith.select %ge3A_184, %broadcast_in_dim3A_186, %broadcast_in_dim3A_187 : vector<16xi1>, vector<16xi32>
      %add3A_189 = arith.addi %add3A_182, %select_n3A_188 : vector<16xi32>
      %ge3A_190 = vector.broadcast %add3A_125 : i32 to vector<16xi32>
      %ge3A_191 = arith.cmpi sge, %add3A_180, %ge3A_190 : vector<16xi32>
      %jit3A_192 = arith.constant 0 : i32
      %broadcast_in_dim3A_193 = vector.broadcast %sub3A_131 : i32 to vector<16xi32>
      %broadcast_in_dim3A_194 = vector.broadcast %jit3A_192 : i32 to vector<16xi32>
      %select_n3A_195 = arith.select %ge3A_191, %broadcast_in_dim3A_193, %broadcast_in_dim3A_194 : vector<16xi1>, vector<16xi32>
      %add3A_196 = arith.addi %add3A_189, %select_n3A_195 : vector<16xi32>
      %ge3A_197 = vector.broadcast %add3A_127 : i32 to vector<16xi32>
      %ge3A_198 = arith.cmpi sge, %add3A_180, %ge3A_197 : vector<16xi32>
      %jit3A_199 = arith.constant 0 : i32
      %broadcast_in_dim3A_200 = vector.broadcast %sub3A_132 : i32 to vector<16xi32>
      %broadcast_in_dim3A_201 = vector.broadcast %jit3A_199 : i32 to vector<16xi32>
      %select_n3A_202 = arith.select %ge3A_198, %broadcast_in_dim3A_200, %broadcast_in_dim3A_201 : vector<16xi1>, vector<16xi32>
      %add3A_203 = arith.addi %add3A_196, %select_n3A_202 : vector<16xi32>
      %ge3A_204 = vector.broadcast %add3A_129 : i32 to vector<16xi32>
      %ge3A_205 = arith.cmpi sge, %add3A_180, %ge3A_204 : vector<16xi32>
      %jit3A_206 = arith.constant 4096 : i32
      %broadcast_in_dim3A_207 = vector.broadcast %jit3A_206 : i32 to vector<16xi32>
      %select_n3A_208 = arith.select %ge3A_205, %broadcast_in_dim3A_207, %add3A_203 : vector<16xi1>, vector<16xi32>
      %add3A_209 = arith.constant 16 : i32
      %add3A_210 = arith.addi %mul3A_140, %add3A_209 : i32
      %swap3A_211 = arith.index_cast %add3A_210 : i32 to index
      %swap3A_212 = tpu.vector_load %arg8[%swap3A_211] {strides = array<i32>} : memref<4096xi32, #tpu.memory_space<vmem>>, vector<16xi32>,
      tpu.vector_store %arg8[%swap3A_211], %select_n3A_208 {strides = array<i32>} : memref<4096xi32, #tpu.memory_space<vmem>>, vector<16xi32>,
    }
    %scan3A_137 = arith.constant 128 : i32
    "tpu.region"() ({
      %run_scoped3A = tpu.sem_alloc : memref<!tpu.dma_semaphore, #tpu.memory_space<semaphore_mem>>
      %dma_start3A_138 = tpu.memref_slice %arg6[%arg1, %mul3A_0] : memref<16x4096xi32, #tpu.memory_space<hbm>> -> memref<1x4096xi32, #tpu.memory_space<hbm>>
      %dma_start3A_139 = tpu.memref_squeeze %dma_start3A_138 : memref<1x4096xi32, #tpu.memory_space<hbm>> -> memref<4096xi32, #tpu.memory_space<hbm>>
      %dma_start3A_140 = tpu.memref_slice %arg6[%arg1, %mul3A_0] : memref<16x4096xi32, #tpu.memory_space<hbm>> -> memref<1x4096xi32, #tpu.memory_space<hbm>>
      %dma_start3A_141 = tpu.memref_squeeze %dma_start3A_140 : memref<1x4096xi32, #tpu.memory_space<hbm>> -> memref<4096xi32, #tpu.memory_space<hbm>>
      tpu.enqueue_dma source(%arg8 : memref<4096xi32, #tpu.memory_space<vmem>>) target(%dma_start3A_141 : memref<4096xi32, #tpu.memory_space<hbm>>) target_semaphore(%run_scoped3A : memref<!tpu.dma_semaphore, #tpu.memory_space<semaphore_mem>>)
      %dma_wait3A_142 = tpu.memref_slice %arg6[%arg1, %mul3A_0] : memref<16x4096xi32, #tpu.memory_space<hbm>> -> memref<1x4096xi32, #tpu.memory_space<hbm>>
      %dma_wait3A_143 = tpu.memref_squeeze %dma_wait3A_142 : memref<1x4096xi32, #tpu.memory_space<hbm>> -> memref<4096xi32, #tpu.memory_space<hbm>>
      %dma_wait3A_144 = tpu.memref_slice %arg6[%arg1, %mul3A_0] : memref<16x4096xi32, #tpu.memory_space<hbm>> -> memref<1x4096xi32, #tpu.memory_space<hbm>>
      %dma_wait3A_145 = tpu.memref_squeeze %dma_wait3A_144 : memref<1x4096xi32, #tpu.memory_space<hbm>> -> memref<4096xi32, #tpu.memory_space<hbm>>
      tpu.wait_dma2 semaphore(%run_scoped3A : memref<!tpu.dma_semaphore, #tpu.memory_space<semaphore_mem>>) src(%arg8 : memref<4096xi32, #tpu.memory_space<vmem>>) dst(%dma_wait3A_145 : memref<4096xi32, #tpu.memory_space<hbm>>)
      tpu.yield
    }) : () -> ()
    return
  }
}

module attributes {stable_mosaic.version = 14 : i64} {
  func.func @span_masks_tc(%arg0: memref<4x16x4xf32, #tpu.memory_space<vmem>>, %arg1: memref<16x4096xi8, #tpu.memory_space<vmem>>, %arg2: memref<16x4096xi8, #tpu.memory_space<vmem>>) attributes {dimension_semantics = [], scalar_prefetch = 0 : i64, scratch_operands = 0 : i64, tpu.core_type = #tpu.core_type<tc>} {
    %get3A = arith.constant 0 : index
    %get3A_0 = arith.constant 0 : index
    %get3A_1 = arith.constant 0 : index
    %get3A_2 = vector.load %arg0[%get3A, %get3A_0, %get3A_1] : memref<4x16x4xf32, #tpu.memory_space<vmem>>, vector<1x16x4xf32>
    %get3A_3 = vector.shape_cast %get3A_2 : vector<1x16x4xf32> to vector<16x4xf32>
    %get3A_4 = arith.constant 1 : index
    %get3A_5 = arith.constant 0 : index
    %get3A_6 = arith.constant 0 : index
    %get3A_7 = vector.load %arg0[%get3A_4, %get3A_5, %get3A_6] : memref<4x16x4xf32, #tpu.memory_space<vmem>>, vector<1x16x4xf32>
    %get3A_8 = vector.shape_cast %get3A_7 : vector<1x16x4xf32> to vector<16x4xf32>
    %get3A_9 = arith.constant 2 : index
    %get3A_10 = arith.constant 0 : index
    %get3A_11 = arith.constant 0 : index
    %get3A_12 = vector.load %arg0[%get3A_9, %get3A_10, %get3A_11] : memref<4x16x4xf32, #tpu.memory_space<vmem>>, vector<1x16x4xf32>
    %get3A_13 = vector.shape_cast %get3A_12 : vector<1x16x4xf32> to vector<16x4xf32>
    %get3A_14 = arith.constant 3 : index
    %get3A_15 = arith.constant 0 : index
    %get3A_16 = arith.constant 0 : index
    %get3A_17 = vector.load %arg0[%get3A_14, %get3A_15, %get3A_16] : memref<4x16x4xf32, #tpu.memory_space<vmem>>, vector<1x16x4xf32>
    %get3A_18 = vector.shape_cast %get3A_17 : vector<1x16x4xf32> to vector<16x4xf32>
    %lt3A = arith.constant 5.000000e-01 : f32
    %lt3A_19 = vector.broadcast %lt3A : f32 to vector<16x4xf32>
    %lt3A_20 = arith.cmpf olt, %get3A_3, %lt3A_19 : vector<16x4xf32>
    %select_n3A = arith.select %lt3A_20, %get3A_8, %get3A_13 : vector<16x4xi1>, vector<16x4xf32>
    %mul3A = arith.constant 4.096000e+03 : f32
    %mul3A_21 = vector.broadcast %mul3A : f32 to vector<16x4xf32>
    %mul3A_22 = arith.mulf %select_n3A, %mul3A_21 : vector<16x4xf32>
    %convert_element_type3A = arith.fptosi %mul3A_22 : vector<16x4xf32> to vector<16x4xi32>
    %max3A = arith.constant 1 : i32
    %max3A_23 = vector.broadcast %max3A : i32 to vector<16x4xi32>
    %max3A_24 = arith.maxsi %convert_element_type3A, %max3A_23 : vector<16x4xi32>
    %sub3A = arith.constant 4096 : i32
    %sub3A_25 = vector.broadcast %sub3A : i32 to vector<16x4xi32>
    %sub3A_26 = arith.subi %sub3A_25, %max3A_24 : vector<16x4xi32>
    %max3A_27 = arith.constant 0 : i32
    %max3A_28 = vector.broadcast %max3A_27 : i32 to vector<16x4xi32>
    %max3A_29 = arith.maxsi %sub3A_26, %max3A_28 : vector<16x4xi32>
    %convert_element_type3A_30 = arith.sitofp %max3A_29 : vector<16x4xi32> to vector<16x4xf32>
    %add3A = arith.constant 1.000000e+00 : f32
    %add3A_31 = vector.broadcast %add3A : f32 to vector<16x4xf32>
    %add3A_32 = arith.addf %convert_element_type3A_30, %add3A_31 : vector<16x4xf32>
    %mul3A_33 = arith.mulf %get3A_18, %add3A_32 : vector<16x4xf32>
    %convert_element_type3A_34 = arith.fptosi %mul3A_33 : vector<16x4xf32> to vector<16x4xi32>
    %add3A_35 = arith.addi %convert_element_type3A_34, %max3A_24 : vector<16x4xi32>
    %min3A = arith.constant 4096 : i32
    %min3A_36 = vector.broadcast %min3A : i32 to vector<16x4xi32>
    %min3A_37 = arith.minsi %add3A_35, %min3A_36 : vector<16x4xi32>
    %convert_element_type3A_38 = arith.trunci %convert_element_type3A_34 : vector<16x4xi32> to vector<16x4xi16>
    %convert_element_type3A_39 = arith.trunci %min3A_37 : vector<16x4xi32> to vector<16x4xi16>
    %iota3A = tpu.iota {dimensions = array<i32: 1>} : vector<16x4096xi16>
    %slice3A = vector.extract_strided_slice %convert_element_type3A_38 {offsets = [0, 0], sizes = [16, 1], strides = [1, 1]} : vector<16x4xi16> to vector<16x1xi16>
    %ge3A = vector.broadcast %slice3A : vector<16x1xi16> to vector<16x4096xi16>
    %ge3A_40 = arith.cmpi sge, %iota3A, %ge3A : vector<16x4096xi16>
    %slice3A_41 = vector.extract_strided_slice %convert_element_type3A_39 {offsets = [0, 0], sizes = [16, 1], strides = [1, 1]} : vector<16x4xi16> to vector<16x1xi16>
    %lt3A_42 = vector.broadcast %slice3A_41 : vector<16x1xi16> to vector<16x4096xi16>
    %lt3A_43 = arith.cmpi slt, %iota3A, %lt3A_42 : vector<16x4096xi16>
    %and3A = arith.andi %ge3A_40, %lt3A_43 : vector<16x4096xi1>
    %slice3A_44 = vector.extract_strided_slice %convert_element_type3A_38 {offsets = [0, 1], sizes = [16, 1], strides = [1, 1]} : vector<16x4xi16> to vector<16x1xi16>
    %ge3A_45 = vector.broadcast %slice3A_44 : vector<16x1xi16> to vector<16x4096xi16>
    %ge3A_46 = arith.cmpi sge, %iota3A, %ge3A_45 : vector<16x4096xi16>
    %slice3A_47 = vector.extract_strided_slice %convert_element_type3A_39 {offsets = [0, 1], sizes = [16, 1], strides = [1, 1]} : vector<16x4xi16> to vector<16x1xi16>
    %lt3A_48 = vector.broadcast %slice3A_47 : vector<16x1xi16> to vector<16x4096xi16>
    %lt3A_49 = arith.cmpi slt, %iota3A, %lt3A_48 : vector<16x4096xi16>
    %and3A_50 = arith.andi %ge3A_46, %lt3A_49 : vector<16x4096xi1>
    %or3A = arith.ori %and3A, %and3A_50 : vector<16x4096xi1>
    %slice3A_51 = vector.extract_strided_slice %convert_element_type3A_38 {offsets = [0, 2], sizes = [16, 1], strides = [1, 1]} : vector<16x4xi16> to vector<16x1xi16>
    %ge3A_52 = vector.broadcast %slice3A_51 : vector<16x1xi16> to vector<16x4096xi16>
    %ge3A_53 = arith.cmpi sge, %iota3A, %ge3A_52 : vector<16x4096xi16>
    %slice3A_54 = vector.extract_strided_slice %convert_element_type3A_39 {offsets = [0, 2], sizes = [16, 1], strides = [1, 1]} : vector<16x4xi16> to vector<16x1xi16>
    %lt3A_55 = vector.broadcast %slice3A_54 : vector<16x1xi16> to vector<16x4096xi16>
    %lt3A_56 = arith.cmpi slt, %iota3A, %lt3A_55 : vector<16x4096xi16>
    %and3A_57 = arith.andi %ge3A_53, %lt3A_56 : vector<16x4096xi1>
    %or3A_58 = arith.ori %or3A, %and3A_57 : vector<16x4096xi1>
    %slice3A_59 = vector.extract_strided_slice %convert_element_type3A_38 {offsets = [0, 3], sizes = [16, 1], strides = [1, 1]} : vector<16x4xi16> to vector<16x1xi16>
    %ge3A_60 = vector.broadcast %slice3A_59 : vector<16x1xi16> to vector<16x4096xi16>
    %ge3A_61 = arith.cmpi sge, %iota3A, %ge3A_60 : vector<16x4096xi16>
    %slice3A_62 = vector.extract_strided_slice %convert_element_type3A_39 {offsets = [0, 3], sizes = [16, 1], strides = [1, 1]} : vector<16x4xi16> to vector<16x1xi16>
    %lt3A_63 = vector.broadcast %slice3A_62 : vector<16x1xi16> to vector<16x4096xi16>
    %lt3A_64 = arith.cmpi slt, %iota3A, %lt3A_63 : vector<16x4096xi16>
    %and3A_65 = arith.andi %ge3A_61, %lt3A_64 : vector<16x4096xi1>
    %or3A_66 = arith.ori %or3A_58, %and3A_65 : vector<16x4096xi1>
    %convert_element_type3A_67 = arith.extui %or3A_66 : vector<16x4096xi1> to vector<16x4096xi8>
    %swap3A = arith.constant 0 : index
    %swap3A_68 = arith.constant 0 : index
    %swap3A_69 = vector.load %arg2[%swap3A, %swap3A_68] : memref<16x4096xi8, #tpu.memory_space<vmem>>, vector<16x4096xi8>
    tpu.vector_store %arg2[%swap3A, %swap3A_68], %convert_element_type3A_67 {strides = array<i32>} : memref<16x4096xi8, #tpu.memory_space<vmem>>, vector<16x4096xi8>,
    %not3A = arith.constant dense<true> : vector<16x4096xi1>
    %not3A_70 = arith.xori %or3A_66, %not3A : vector<16x4096xi1>
    %convert_element_type3A_71 = arith.extui %not3A_70 : vector<16x4096xi1> to vector<16x4096xi8>
    %swap3A_72 = arith.constant 0 : index
    %swap3A_73 = arith.constant 0 : index
    %swap3A_74 = vector.load %arg1[%swap3A_72, %swap3A_73] : memref<16x4096xi8, #tpu.memory_space<vmem>>, vector<16x4096xi8>
    tpu.vector_store %arg1[%swap3A_72, %swap3A_73], %convert_element_type3A_71 {strides = array<i32>} : memref<16x4096xi8, #tpu.memory_space<vmem>>, vector<16x4096xi8>,
    return
  }
}

</mosaic_0001>

<sc_bundles>
// kernel: span_positions_sc.3.cloned.1.call-start
scs
__scs_entry_jumppad:
0x0: {  	(pc) =	sbr.rel $0x88, $3  }
0x1: {  	(tag) =	ssettag $0x0;
	lr =	simm.s32 $0x1  }
0x2: {  	[smem:$0x3F9D] =	sst lr;
	_ =	strace $0xD0000000  }
0x3: {  	_ = 	snop  }
0x4: {  	_ = 	snop  }
0x5: {  	_ = 	snop  }
0x6: {  	_ = 	snop  }
0x7: {  	_ = 	snop  }
__scs_overlays_trampoline_lowered:
0x8: {  	[smem:$0x3FAC] =	sst s0  }
0x9: {  	[smem:$0x3FAD] =	sst s1  }
0xa: {  	[smem:$0x3FAE] =	sst s2  }
0xb: {  	[smem:$0x3FAF] =	sst s3  }
0xc: {  	[smem:$0x3FB0] =	sst s4  }
0xd: {  	[smem:$0x3FB1] =	sst s5  }
0xe: {  	[smem:$0x3FB2] =	sst s6  }
0xf: {  	[smem:$0x3FB3] =	sst s7  }
0x10: {  	[smem:$0x3FB4] =	sst s8  }
0x11: {  	[smem:$0x3FB5] =	sst s9;
	s0 =	simm.s32 @!p0 $0x0  }
0x12: {  	s1 =	sld [smem:$0x3F9B];
	s0 =	simm.s32 @p0 $0x1  }
0x13: {  	[smem:$0x3FB6] =	sst s0;
	s0 =	simm.s32 @!p1 $0x0  }
0x14: {  	s2 =	sld [smem:$0x3F9A];
	s0 =	simm.s32 @p1 $0x1  }
0x15: {  	[smem:$0x3FB7] =	sst s0;
	s0 =	simm.s32 @!p2 $0x0  }
0x16: {  	s3 =	sld [smem:$0x3FDB];
	s0 =	simm.s32 @p2 $0x1  }
0x17: {  	s4 =	simm.s32 $0x1BF5;
	[smem:$0x3FB9] =	sst s0  }
0x18: {  	s0 =	sld [smem:$0x3F9C];
	_ =	swait.ge [sflag:s4], $0x0  }
0x19: {  	s7 =	sld [smem:$0x3F9D]  }
0x1a: {  	s8 =	sadd.s32 $0xFFFFE003, lr  }
0x1b: {  	s9 =	sadd.s32 $0xFFFFFEF7, lr;
	s5 =	simm.s32 $0xFFFFFFFF;
	p2 =	slt.u32 s8, $0xFFFFF086  }
0x1c: {  	p1 =	slt.u32 s9, $0xF7A;
	s5 =	simm.s32 @!p2 $0x0  }
0x1d: {  	s5 =	simm.s32 @p1 $0x1;
	p0 =	seq.s32 s7, s2  }
0x1e: {  	s7 =	smul.u32 @!p0 $0xF7A, s2;
	p2 =	seq.s32 @!p0 s5, $0x0  }
0x1f: {  	s9 =	smul.u32 $0xF7A, s1;
	s8 =	simm.s32 @!p0 $0x1BF5;
	p2 =	por !p2, p0  }
0x20: {  	[sflag:s8] =	ssyncset.s32 @!p0 $0xFFFFF086;
	s6 =	sadd.s32 @!p0 s3, s7;
	s7 =	simm.s32 @!p0 $0x108  }
0x21: {  	s3 =	sadd.s32 s3, s9;
	s6 =	sadd.s32 @!p0 $0x88, s6;
	s7 =	simm.s32 @p2 $0x1082  }
0x22: {  	[simem:s7], [sflag:s8] =	dma.local @!p0 [hbm:s6], $0xF7A  }
0x23: {  	s9 =	sor.u32 $0xD0000000, s2;
	s6 =	simm.s32 $0x108;
	_ =	swait.ge @!p0 [sflag:s8], $0x0  }
0x24: {  	s3 =	sadd.s32 $0x88, s3;
	s6 =	simm.s32 @!p1 $0x1082;
	[sflag:s4] =	ssyncset.s32 $0xFFFFF086  }
0x25: {  	[simem:s6], [sflag:s4] =	dma.local [hbm:s3], $0xF7A  }
0x26: {  	[smem:$0x3F9D] =	sst s1;
	(tag) =	ssettag s2;
	_ =	strace s9  }
0x27: {  	s1 =	sld [smem:$0x3FAD]  }
0x28: {  	s2 =	sld [smem:$0x3FAE]  }
0x29: {  	s4 =	sld [smem:$0x3FB0]  }
0x2a: {  	p0 =	seq.s32 s5, $0x0;
	s5 =	sld [smem:$0x3FB1]  }
0x2b: {  	s6 =	sld [smem:$0x3FB2]  }
0x2c: {  	s7 =	sld [smem:$0x3FB3]  }
0x2d: {  	s3 =	simm.s32 $0x108;
	s8 =	sld [smem:$0x3FB4]  }
0x2e: {  	s3 =	simm.s32 @!p0 $0x1082;
	s9 =	sld [smem:$0x3FB5]  }
0x2f: {  	lr =	sadd.s32 s0, s3;
	s0 =	sld [smem:$0x3FAC]  }
0x30: {  	s3 =	sld [smem:$0x3FAF]  }
0x31: {  	[smem:$0x3FB8] =	sst s10  }
0x32: {  	s10 =	sld [smem:$0x3FB6];
	_ =	sdelay $0x3  }
0x33: {  	p0 =	seq.s32 s10, $0x1;
	s10 =	sld [smem:$0x3FB8];
	_ =	sdelay $0x3  }
0x34: {  	[smem:$0x3FB8] =	sst s10  }
0x35: {  	s10 =	sld [smem:$0x3FB7];
	_ =	sdelay $0x3  }
0x36: {  	p1 =	seq.s32 s10, $0x1;
	s10 =	sld [smem:$0x3FB8];
	_ =	sdelay $0x3  }
0x37: {  	[smem:$0x3FB8] =	sst s10  }
0x38: {  	s10 =	sld [smem:$0x3FB9]  }
0x39: {  	_ = 	snop;
	(pc) =	sbr.ind lr, $3  }
0x3a: {  	_ = 	snop  }
0x3b: {  	_ = 	snop  }
0x3c: {  	p2 =	seq.s32 s10, $0x1;
	s10 =	sld [smem:$0x3FB8]  }
0x3d: {  	_ =	shalt  }
0x3e: {  	_ =	shalt  }
0x3f: {  	_ =	shalt  }
0x40: {  	_ =	shalt  }
0x41: {  	_ =	shalt  }
0x42: {  	_ =	shalt  }
0x43: {  	_ =	shalt  }
0x44: {  	_ =	shalt  }
0x45: {  	_ =	shalt  }
0x46: {  	_ =	shalt  }
0x47: {  	_ =	shalt  }
0x48: {  	_ =	shalt  }
0x49: {  	_ =	shalt  }
0x4a: {  	_ =	shalt  }
0x4b: {  	_ =	shalt  }
0x4c: {  	_ =	shalt  }
0x4d: {  	_ =	shalt  }
0x4e: {  	_ =	shalt  }
0x4f: {  	_ =	shalt  }
0x50: {  	_ =	shalt  }
0x51: {  	_ =	shalt  }
0x52: {  	_ =	shalt  }
0x53: {  	_ =	shalt  }
0x54: {  	_ =	shalt  }
0x55: {  	_ =	shalt  }
0x56: {  	_ =	shalt  }
0x57: {  	_ =	shalt  }
0x58: {  	_ =	shalt  }
0x59: {  	_ =	shalt  }
0x5a: {  	_ =	shalt  }
0x5b: {  	_ =	shalt  }
0x5c: {  	_ =	shalt  }
0x5d: {  	_ =	shalt  }
0x5e: {  	_ =	shalt  }
0x5f: {  	_ =	shalt  }
0x60: {  	_ =	shalt  }
0x61: {  	_ =	shalt  }
0x62: {  	_ =	shalt  }
0x63: {  	_ =	shalt  }
0x64: {  	_ =	shalt  }
0x65: {  	_ =	shalt  }
0x66: {  	_ =	shalt  }
0x67: {  	_ =	shalt  }
0x68: {  	_ =	shalt  }
0x69: {  	_ =	shalt  }
0x6a: {  	_ =	shalt  }
0x6b: {  	_ =	shalt  }
0x6c: {  	_ =	shalt  }
0x6d: {  	_ =	shalt  }
0x6e: {  	_ =	shalt  }
0x6f: {  	_ =	shalt  }
0x70: {  	_ =	shalt  }
0x71: {  	_ =	shalt  }
0x72: {  	_ =	shalt  }
0x73: {  	_ =	shalt  }
0x74: {  	_ =	shalt  }
0x75: {  	_ =	shalt  }
0x76: {  	_ =	shalt  }
0x77: {  	_ =	shalt  }
0x78: {  	_ =	shalt  }
0x79: {  	_ =	shalt  }
0x7a: {  	_ =	shalt  }
0x7b: {  	_ =	shalt  }
0x7c: {  	_ =	shalt  }
0x7d: {  	_ =	shalt  }
0x7e: {  	_ =	shalt  }
0x7f: {  	_ =	shalt  }
0x80: {  	_ =	shalt  }
0x81: {  	_ =	shalt  }
0x82: {  	_ =	shalt  }
0x83: {  	_ =	shalt  }
0x84: {  	_ =	shalt  }
0x85: {  	_ =	shalt  }
0x86: {  	_ =	shalt  }
0x87: {  	_ =	shalt  }
.Lfunc_end0:
.L_simem_size_0:
called_computation_lowered:
.L_overlay_start_0:
0x88: {  	s0 =	sld [smem:$0x3FD9]  }
0x89: {  	s1 =	sld [smem:$0x3FFE];
	_ =	sdelay $0x3  }
0x8a: {  	s0 =	sadd.s32 s1, s0  }
0x8b: {  	[smem:$0x3FC4] =	sst s0  }
0x8c: {  	_ = 	snop  }
0x8d: {  	s0 =	sld [smem:$0x3FC9]  }
0x8e: {  	s14 =	sld [smem:$0x3FD0]  }
0x8f: {  	s2 =	sld [smem:$0x3FC8]  }
0x90: {  	s3 =	sld [smem:$0x3FC7]  }
0x91: {  	s5 =	simm.s32 $0xA;
	s6 =	simm.s32 $0x10;
	s4 =	sld [smem:$0x3FC6]  }
0x92: {  	[smem:s6], [sflag:s5] =	dma.local [hbm:s14], $0x1  }
0x93: {  	_ =	swait.eq [sflag:s5], $0x1  }
0x94: {  	[sflag:s5] =	ssyncset.done $0x0  }
0x95: {  	[sflag:s5] =	ssyncadd.s32 $0xFFFFFFFF  }
0x96: {  	s15 =	sld [smem:$0x12];
	(tm) =	ssettm $0x1  }
0x97: {  	s16 =	sld [smem:$0x3FFB];
	_ =	sdelay $0x3  }
0x98: {  	_ =	strace s16  }
0x99: {  	s5 =	sld [smem:$0x3FFC];
	_ =	sdelay $0x3  }
0x9a: {  	_ =	strace s5  }
0x9b: {  	s5 =	sld [smem:$0x3FFD];
	_ =	sdelay $0x3  }
0x9c: {  	_ =	strace s5  }
0x9d: {  	_ =	strace $0x8FFFFFFF  }
0x9e: {  	s17 =	sld [smem:$0x3FDB];
	_ =	sdelay $0x1  }
0x9f: {  	s18 =	simm.s32 $_scs_section_size  }
0xa0: {  	s7 =	simm.s32 $_size__tile_overlayer_lowered;
	s8 =	simm.s32 $_tile_overlayer_lowered  }
0xa1: {  	s21 =	simm.s32 $0x1BFF;
	s20 =	sshll.u32 s8, $0x1;
	s5 =	sadd.s32 s18, s17  }
0xa2: {  	s9 =	simm.s32 $0x0;
	s19 =	sshll.u32 s7, $0x1;
	s7 =	sadd.s32 s20, s5  }
0xa3: {  	[timem:s9], [sflag:s21] =	dma.local [hbm:s7], s19  }
0xa4: {  	_ =	swait.ge [sflag:s21], s19  }
0xa5: {  	s6 =	ssub.s32 $0x0, s19;
	[sflag:s21] =	ssyncset.done $0x0  }
0xa6: {  	[sflag:s21] =	ssyncadd.s32 s6;
	_ =	sdelay $0x1  }
0xa7: {  	s22 =	simm.s32 $0x1B8B  }
0xa8: {  	_ =	swait.ge [sflag:s22], $0x1  }
0xa9: {  	[sflag:s22] =	ssyncset.done $0x0  }
0xaa: {  	s23 =	simm.s32 $0x1B8E;
	[sflag:s22] =	ssyncadd.s32 $0xFFFFFFFF  }
0xab: {  	s24 =	simm.s32 $execute0_lowered;
	[smem:$0x3FD2] =	sst s23  }
0xac: {  	s6 =	sshll.u32 s24, $0x1;
	_ =	strace $0x80000046;
	[dreg:$0x1] =	wrdreg $0xFFFFFFFF  }
0xad: {  	s25 =	simm.s32 $_size_execute0_lowered;
	s5 =	sadd.s32 s5, s6;
	[dreg:$0x0] =	wrdreg $0x0  }
0xae: {  	s6 =	sshll.u32 s25, $0x1;
	[dreg:$0x2] =	wrdreg s5  }
0xaf: {  	[dreg:$0x3] =	wrdreg s6  }
0xb0: {  	[dreg:$0x4] =	wrdreg $0xC0  }
0xb1: {  	_ =	task [dreg:s9], $0x5FFFF  }
0xb2: {  	[dreg:$0x1] =	wrdreg $0xFFFFFFFF  }
0xb3: {  	[dreg:$0x0] =	wrdreg $0x60  }
0xb4: {  	[dreg:$0x2] =	wrdreg s0  }
0xb5: {  	[dreg:$0x3] =	wrdreg s2  }
0xb6: {  	[dreg:$0x4] =	wrdreg s3  }
0xb7: {  	[dreg:$0x5] =	wrdreg s4  }
0xb8: {  	[dreg:$0x6] =	wrdreg s15  }
0xb9: {  	[dreg:$0x7] =	wrdreg $0x9  }
0xba: {  	_ =	task.clear_ibuf [dreg:s9], $0x8FFFF;
	_ =	strace $0x90000046  }
0xbb: {  	s26 =	simm.s32 $0x9;
	_ =	strace $0x80000048  }
0xbc: {  	_ =	swait.ge [sflag:s26], $0x1  }
0xbd: {  	[sflag:s26] =	ssyncadd.s32 $0xFFFFFFFF  }
0xbe: {  	_ =	strace $0x90000048  }
0xbf: {  	_ =	sfence  }
0xc0: {  	s28 =	sld [smem:$0x0];
	_ =	sdelay $0x1  }
0xc1: {  	s29 =	srdreg.scid  }
0xc2: {  	s30 =	sshll.u32 s29, $0xD;
	s31 =	sshrl.u32 s29, $0x2  }
0xc3: {  	s1 =	sand.u32 $0x1, s29;
	s2 =	sand.u32 $0x4000, s30;
	s0 =	sadd.s32 s31, s28  }
0xc4: {  	s1 =	sor.u32 s2, s1;
	s0 =	sshll.u32 s0, $0x11  }
0xc5: {  	s0 =	sor.u32 s0, s1  }
0xc6: {  	s0 =	sadd.s32 $0x8F2B, s0  }
0xc7: {  	[sflag:s0] =	ssyncadd.remote.s32 $0x1  }
0xc8: {  	_ =	sfence.sel $0xFFFF  }
0xc9: {  	[dreg:$0x0] =	wrdreg $0xFFFFFFFF;
	(pc) =	sbr.abs _section_cstart, $3  }
0xca: {  	[dreg:$0x1] =	wrdreg $0xFFFFFFFF  }
0xcb: {  	_ =	task.clear_ibuf [dreg:s9], $0x2FFFF;
	_ =	strace $0x9FFFFFFF  }
0xcc: {  	(tm) =	ssettm $0x7FFFFFFF  }
0xcd: {  	_ =	shalt  }
tec
execute0_lowered:
.L_overlay_start_1:
0x0: {  	(tag) =	ssettag $0x1  }
0x1: {  	s2 =	rddreg [dreg:$0x0]  }
0x2: {  	s4 =	rddreg [dreg:$0x1]  }
0x3: {  	s5 =	rddreg [dreg:$0x2]  }
0x4: {  	s6 =	rddreg [dreg:$0x3]  }
0x5: {  	s1 =	rddreg [dreg:$0x4];
	s3 =	simm.s32 $0x0  }
0x6: {  	[smem:$0x7FF] =	sst s3  }
0x7: {  	s0 =	rddreg [dreg:$0x5];
	_ =	strace $0x80000047  }
0x8: {  	[tilespmem:s3], [sflag:$0x1] =	stream.linear.gather [hbm4b:s2+s3], $0x80, $0x38;
	[tilespmem:$0x1200] =	vst v63  }
0x9: {  	s19 =	simm.s32 $0x80  }
0xa: {  	[tilespmem:s19], [sflag:$0x1] =	stream.linear.gather [hbm4b:s4+s3], $0x80, $0x38;
	[tilespmem:$0x1200] =	vst v63  }
0xb: {  	s20 =	simm.s32 $0x100  }
0xc: {  	[tilespmem:s20], [sflag:$0x1] =	stream.linear.gather [hbm4b:s5+s3], $0x80, $0x38;
	[tilespmem:$0x1200] =	vst v63  }
0xd: {  	s21 =	simm.s32 $0x180;
	s22 =	simm.s32 $0x1  }
0xe: {  	[tilespmem:s21], [sflag:$0x1] =	stream.linear.gather [hbm4b:s6+s3], $0x80, $0x38;
	[tilespmem:$0x1200] =	vst v63  }
0xf: {  	_ =	swait.ge [sflag:s22], $0x80  }
0x10: {  	[sflag:s22] =	ssyncset.done $0x0  }
0x11: {  	[sflag:s22] =	ssyncadd.s32 $0xFFFFFF80  }
0x12: {  	_ =	swait.ge [sflag:s22], $0x80  }
0x13: {  	[sflag:s22] =	ssyncset.done $0x0  }
0x14: {  	v0 =	vlaneseq.u32;
	s2 =	stileid.u32;
	[sflag:s22] =	ssyncadd.s32 $0xFFFFFF80  }
0x15: {  	v1 =	vand.u32 $0x3, v0;
	s23 =	sshll.u32 s2, $0x2;
	_ =	swait.ge [sflag:s22], $0x80  }
0x16: {  	v3 =	vor.u32 $0x80, v1;
	v2 =	vor.u32 s23, v1;
	[sflag:s22] =	ssyncset.done $0x0  }
0x17: {  	v4 =	vor.u32 $0x100, v1;
	v3 =	vor.u32 s23, v3;
	[sflag:s22] =	ssyncadd.s32 $0xFFFFFF80  }
0x18: {  	v4 =	vor.u32 s23, v4;
	_ =	swait.ge [sflag:s22], $0x80  }
0x19: {  	[sflag:s22] =	ssyncset.done $0x0  }
0x1a: {  	[sflag:s22] =	ssyncadd.s32 $0xFFFFFF80  }
0x1b: {  	v2 =	vld.idx.msk [tilespmem:v2+s3+$0x0], $0xffff  }
0x1c: {  	v3 =	vld.idx.msk [tilespmem:v3+s3+$0x0], $0xffff  }
0x1d: {  	v4 =	vld.idx.msk [tilespmem:v4+s3+$0x0], $0xffff;
	_ =	sdelay $0x3  }
0x1e: {  	vm0 =	vlt.f32 v2, $5.000000000e-01  }
0x1f: {  	v2 =	vsel vm0, v3, v4  }
0x20: {  	v2 =	vmul.f32 $4.096000000e+03, v2;
	_ =	sdelay $0x1  }
0x21: {  	v2 =	vtrunc.f32 v2  }
0x22: {  	v1 =	vor.u32 $0x180, v1;
	v2 =	vcvt.f32.s32 v2  }
0x23: {  	v1 =	vor.u32 s23, v1  }
0x24: {  	vm0 =	vgt.s32 v2, $0x1  }
0x25: {  	v2 =	vnsel vm0, $0x1, v2  }
0x26: {  	v3 =	vsub.s32 $0x1000, v2  }
0x27: {  	vm0 =	vgt.s32 v3, $0x0  }
0x28: {  	v1 =	vld.idx.msk [tilespmem:v1+s3+$0x0], $0xffff;
	v3 =	vnsel vm0, $0x0, v3  }
0x29: {  	v3 =	vcvt.s32.f32 v3;
	_ =	sdelay $0x1  }
0x2a: {  	v3 =	vadd.f32 $1.000000000e+00, v3;
	_ =	sdelay $0x1  }
0x2b: {  	v1 =	vmul.f32 v3, v1;
	_ =	sdelay $0x1  }
0x2c: {  	v1 =	vtrunc.f32 v1  }
0x2d: {  	v1 =	vcvt.f32.s32 v1;
	_ =	sdelay $0x1  }
0x2e: {  	vm0 =	vmmov $0xf;
	v2 =	vadd.s32 v1, v2  }
0x2f: {  	v1 =	vnsel vm0, $0x7FFFFFFF, v1;
	vm1 =	vlt.s32 v2, $0x1000  }
0x30: {  	v1 =	vxor.u32 $0x80000000, v1;
	v2 =	vnsel vm1, $0x1000, v2  }
0x31: {  	(xrf1) =	vsort.ascd.msk.u32 $0xffff, v1, v2;
	_ =	sdelay $0xd  }
0x32: {  	v1, v2, _ =	vpop (xrf1)  }
0x33: {  	v1 =	vxor.u32 $0x80000000, v1  }
0x34: {  	(v2sf) =	vpush v1, $0x0  }
0x35: {  	(v2sf) =	vpush v1, $0x1  }
0x36: {  	(v2sf) =	vpush v1, $0x2  }
0x37: {  	(v2sf) =	vpush v1, $0x3  }
0x38: {  	(v2sf) =	vpush v2, $0x0  }
0x39: {  	(v2sf) =	vpush v2, $0x1;
	_ =	sdelay $0x1  }
0x3a: {  	(v2sf) =	vpush v2, $0x2  }
0x3b: {  	(v2sf) =	vpush v2, $0x3;
	_ =	sdelay $0x6  }
0x3c: {  	s24 =	spop (v2sf)  }
0x3d: {  	s5 =	spop (v2sf)  }
0x3e: {  	s6 =	spop (v2sf)  }
0x3f: {  	s7 =	spop (v2sf)  }
0x40: {  	s8 =	spop (v2sf)  }
0x41: {  	s30 =	simm.s32 $0x10;
	s9 =	spop (v2sf);
	s10 =	smov.u32 s8  }
0x42: {  	p1 =	sgt.s32 s5, s8;
	s13 =	smov.u32 s8;
	s4 =	ssub.s32 s8, s24  }
0x43: {  	p0 =	sgt.s32 s9, s8;
	s11 =	spop (v2sf);
	s13 =	smov.u32 @p1 s5  }
0x44: {  	s10 =	smov.u32 @p0 s9;
	s12 =	spop (v2sf);
	s8 =	ssub.s32 s13, s8  }
0x45: {  	p0 =	sgt.s32 s11, s10;
	s9 =	smov.u32 s10;
	s5 =	smov.u32 s10  }
0x46: {  	s25 =	ssub.s32 s10, s13;
	s9 =	smov.u32 @p0 s11;
	p0 =	sgt.s32 s6, s10  }
0x47: {  	v9 =	vor.u32 s3, v0;
	v2 =	vbroadcast v1, $0x0;
	v5 =	vmov s4;
	p1 =	sgt.s32 s7, s9;
	s11 =	smov.u32 s9;
	s5 =	smov.u32 @p0 s6  }
0x48: {  	v12 =	vor.u32 s30, v0;
	vm2 =	vlt.s32 v9, v5;
	v4 =	vmov s8;
	p0 =	sgt.s32 s12, s9;
	s6 =	smov.u32 s9;
	s11 =	smov.u32 @p1 s7  }
0x49: {  	v10 =	vadd.s32 v2, v9;
	v15 =	vadd.s32 v2, v12;
	v13 =	vsel vm2, $0x0, v4;
	s7 =	sadd.s32 s4, s25;
	s26 =	ssub.s32 s9, s5;
	s5 =	ssub.s32 s5, s10  }
0x4a: {  	v10 =	vadd.s32 v13, v10;
	s6 =	smov.u32 @p0 s12;
	s12 =	sadd.s32 s26, s7;
	s29 =	ssub.s32 s11, s9;
	v8 =	vmov s7;
	v6 =	vmov s5  }
0x4b: {  	s6 =	ssub.s32 s6, s11;
	v7 =	vmov s12;
	v3 =	vmov s29;
	vm0 =	vlt.s32 v9, v8  }
0x4c: {  	s28 =	sadd.s32 s12, s6;
	vm1 =	vlt.s32 v9, v7;
	v14 =	vsel vm0, $0x0, v6;
	vm0 =	vlt.s32 v12, v5  }
0x4d: {  	v1 =	vmov s28;
	v11 =	vsel vm1, $0x0, v3;
	v16 =	vsel vm0, $0x0, v4  }
0x4e: {  	vm0 =	vlt.s32 v12, v8;
	v10 =	vadd.s32 v14, v10;
	vm1 =	vlt.s32 v9, v1  }
0x4f: {  	v15 =	vadd.s32 v16, v15;
	v60 =	vsel vm0, $0x0, v6;
	vm0 =	vlt.s32 v12, v7  }
0x50: {  	v10 =	vadd.s32 v11, v10;
	v61 =	vadd.s32 v60, v15;
	v62 =	vsel vm0, $0x0, v3  }
0x51: {  	s31 =	simm.s32 $0x20;
	s3 =	simm.s32 $0x210;
	vm0 =	vlt.s32 v12, v1;
	v63 =	vnsel vm1, $0x1000, v10;
	v13 =	vadd.s32 v62, v61  }
0x52: {  	v9 =	vor.u32 s31, v0;
	[tilespmem:s3+$0xFFFFFFF0] =	vst v63;
	v11 =	vnsel vm0, $0x1000, v13  }
0x53: {  	s4 =	simm.s32 $0x40;
	s5 =	simm.s32 $0x30;
	v10 =	vadd.s32 v2, v9;
	vm1 =	vlt.s32 v9, v7;
	vm0 =	vlt.s32 v9, v8;
	[tilespmem:s3+$0x0] =	vst v11  }
.LBB2_1:
0x54: {  	p0 =	sne.s32 s4, $0xFE0;
	vm2 =	vlt.s32 v9, v5;
	v11 =	vsel vm1, $0x0, v3;
	v12 =	vor.u32 s5, v0  }
0x55: {  	v14 =	vsel vm0, $0x0, v6;
	v13 =	vsel vm2, $0x0, v4;
	vm0 =	vlt.s32 v12, v5  }
0x56: {  	v15 =	vadd.s32 v2, v12;
	v16 =	vsel vm0, $0x0, v4;
	vm0 =	vlt.s32 v12, v8  }
0x57: {  	v15 =	vadd.s32 v16, v15;
	v16 =	vsel vm0, $0x0, v6;
	vm0 =	vlt.s32 v12, v7  }
.Ltmp0:
0x58: {  	v10 =	vadd.s32 v13, v10;
	v13 =	vadd.s32 v16, v15;
	v15 =	vsel vm0, $0x0, v3;
	(pc) =	sbr.rel @p0 .LBB2_1-.Ltmp0, $4  }
0x59: {  	v10 =	vadd.s32 v14, v10;
	vm0 =	vlt.s32 v12, v1;
	v13 =	vadd.s32 v15, v13  }
0x5a: {  	vm1 =	vlt.s32 v9, v1;
	s3 =	sadd.s32 $0x20, s3;
	v10 =	vadd.s32 v11, v10;
	v11 =	vnsel vm0, $0x1000, v13  }
0x5b: {  	v9 =	vor.u32 s4, v0;
	v12 =	vnsel vm1, $0x1000, v10;
	[tilespmem:s3+$0x0] =	vst v11  }
0x5c: {  	s5 =	sadd.s32 $0x10, s4;
	s4 =	sadd.s32 $0x20, s4;
	v10 =	vadd.s32 v2, v9;
	vm1 =	vlt.s32 v9, v7;
	vm0 =	vlt.s32 v9, v8;
	[tilespmem:s3+$0xFFFFFFF0] =	vst v12  }
0x5d: {  	vm2 =	vlt.s32 v9, v5;
	v11 =	vsel vm1, $0x0, v3;
	v0 =	vor.u32 s5, v0  }
0x5e: {  	v13 =	vsel vm0, $0x0, v6;
	vm15 =	vlt.s32 v9, v1;
	v12 =	vsel vm2, $0x0, v4  }
0x5f: {  	vm11 =	vlt.s32 v0, v5;
	v2 =	vadd.s32 v2, v0;
	vm12 =	vlt.s32 v0, v8  }
0x60: {  	vm13 =	vlt.s32 v0, v7;
	v57 =	vsel vm11, $0x0, v4;
	v59 =	vadd.s32 v12, v10  }
0x61: {  	v58 =	vsel vm12, $0x0, v6;
	v2 =	vadd.s32 v57, v2;
	v61 =	vadd.s32 v13, v59  }
0x62: {  	s4 =	sshll.u32 s2, $0x4;
	s26 =	sshll.u32 s2, $0x9;
	v60 =	vsel vm13, $0x0, v3;
	v2 =	vadd.s32 v58, v2;
	v62 =	vadd.s32 v11, v61  }
0x63: {  	s3 =	sadd.s32 $0x20, s3;
	s28 =	simm.s32 $0x80;
	vm14 =	vlt.s32 v0, v1;
	s4 =	sand.u32 $0x70, s4;
	v2 =	vadd.s32 v60, v2;
	v0 =	vnsel vm15, $0x1000, v62  }
0x64: {  	s29 =	simm.s32 $0x400;
	s5 =	sand.u32 $0x1000, s26;
	s1 =	sadd.s32 s1, s4;
	v63 =	vnsel vm14, $0x1000, v2;
	[tilespmem:s3+$0xFFFFFFF0] =	vst v0  }
0x65: {  	s30 =	simm.s32 $0x200;
	s31 =	simm.s32 $0x2;
	s1 =	sadd.s32 s5, s1;
	[tilespmem:s3+$0x0] =	vst v63  }
0x66: {  	[hbm4b:s1+s28] =	stream.strided.scatter [tilespmem:s30], [sflag:$0x2], $0x1000, s29, s28, $0x38;
	[tilespmem:$0x1200] =	vst v63  }
0x67: {  	_ =	swait.ge [sflag:s31], $0x1000  }
0x68: {  	[sflag:s31] =	ssyncset.done $0x0  }
0x69: {  	[sflag:s31] =	ssyncadd.s32 $0xFFFFF000  }
0x6a: {  	_ =	sfence.sel $0x180000  }
0x6b: {  	[bflag:$0x0] =	sbarrier.arrive $0xFFFF  }
0x6c: {  	p0 =	sne.s32 s2, $0x0;
	_ =	strace $0x90000047  }
0x6d: {  	s0 =	sadd.s32 @!p0 $0x100000, s0;
	[bflag:$0x2] =	sbarrier.arrive $0xFFFF  }
0x6e: {  	[sflag:s0] =	ssyncadd.tile.s32 @!p0 $0x1;
	_ =	shalt  }
.Lfunc_end2:
_tile_overlayer_lowered:
.L_overlay_start_2:
0x6f: {  	(tag) =	ssettag $0x2  }
0x70: {  	s0 =	rddreg [dreg:$0x0];
	s2 =	stileid.u32  }
0x71: {  	s1 =	rddreg [dreg:$0x1];
	p0 =	sne.s32 s2, $0x0  }
0x72: {  	s3 =	rddreg [dreg:$0x2];
	[bflag:$0x3] =	sbarrier.arrive $0xFFFF;
	s2 =	simm.s32 @!p0 $0x1C02  }
0x73: {  	[timem:s3], [sflag:s2] =	dma.local @!p0 [hbm:s0], s1  }
0x74: {  	s0 =	simm.s32 @!p0 $0x2  }
0x75: {  	_ =	swait.ge @!p0 [sflag:s0], s1  }
0x76: {  	s1 =	ssub.s32 @!p0 $0x0, s1;
	[sflag:s0] =	ssyncset.done @!p0 $0x0  }
0x77: {  	[sflag:s0] =	ssyncadd.s32 @!p0 s1  }
0x78: {  	[bflag:$0x3] =	sbarrier.arrive $0xFFFF  }
0x79: {  	_ =	shalt  }

</sc_bundles>
